<compile_context>
chip_gen: v7x
topology: tpu7x:2x2x1
jax: 0.10.2.dev20260603
libtpu: 0.0.44.dev20260713+nightly
codegen_flags: <defaults>
</compile_context>

<pallas_src>
import functools

import jax
import jax.numpy as jnp
from jax import lax
from jax.experimental import pallas as pl
from jax.experimental.pallas import tpu as pltpu

_VOXEL = (0.05, 0.05)
_INT32_MIN_F = -2147483648.0


def _seg_kernel(inv_ref, x_ref, aux_ref, xo_ref, ao_ref, *, n_nodes):
    xo_ref[...] = jnp.full(xo_ref.shape, -jnp.inf, dtype=jnp.float32)
    ao_ref[...] = jnp.zeros(ao_ref.shape, dtype=jnp.float32)

    def body(i, carry):
        s = inv_ref[i]
        xr = x_ref[pl.ds(i, 1), :]
        xc = xo_ref[pl.ds(s, 1), :]
        xo_ref[pl.ds(s, 1), :] = jnp.maximum(xc, xr)
        ar = aux_ref[pl.ds(i, 1), :]
        ac = ao_ref[pl.ds(s, 1), :]
        ao_ref[pl.ds(s, 1), :] = ac + ar
        return carry

    lax.fori_loop(0, n_nodes, body, 0)

    xo = xo_ref[...]
    xo_ref[...] = jnp.where(xo == -jnp.inf, 0.0, xo)
    a = ao_ref[...]
    cnt = a[:, 3:4]
    normed = a / jnp.maximum(cnt, 1.0)
    li = lax.broadcasted_iota(jnp.int32, a.shape, 1)
    res = jnp.where(li < 3, normed, a)
    batv = jnp.where(cnt > 0.0, normed, _INT32_MIN_F)
    res = jnp.where(li == 4, batv, res)
    ao_ref[...] = res


def _segment_pool(inv, x, aux):
    n = x.shape[0]
    grid_spec = pltpu.PrefetchScalarGridSpec(
        num_scalar_prefetch=1,
        grid=(1,),
        in_specs=[
            pl.BlockSpec((n, x.shape[1]), lambda i, inv_ref: (0, 0)),
            pl.BlockSpec((n, aux.shape[1]), lambda i, inv_ref: (0, 0)),
        ],
        out_specs=[
            pl.BlockSpec((n, x.shape[1]), lambda i, inv_ref: (0, 0)),
            pl.BlockSpec((n, aux.shape[1]), lambda i, inv_ref: (0, 0)),
        ],
    )
    return pl.pallas_call(
        functools.partial(_seg_kernel, n_nodes=n),
        grid_spec=grid_spec,
        out_shape=[
            jax.ShapeDtypeStruct((n, x.shape[1]), jnp.float32),
            jax.ShapeDtypeStruct((n, aux.shape[1]), jnp.float32),
        ],
    )(inv, x, aux)


def kernel(x, pos, batch, edge_index):
    n = x.shape[0]
    batch = batch.astype(jnp.int32)
    ei = edge_index.astype(jnp.int32)

    pos2 = pos[:, :2]
    size = jnp.asarray(_VOXEL, dtype=pos.dtype)
    start = jnp.min(pos2, axis=0)
    end = jnp.max(pos2, axis=0)
    v = jnp.floor((pos2 - start) / size).astype(jnp.int32)
    num = (jnp.floor((end - start) / size) + 1.0).astype(jnp.int32)
    cluster = batch * (num[0] * num[1]) + v[:, 0] + v[:, 1] * num[0]

    _, inv = jnp.unique(cluster, return_inverse=True, size=n, fill_value=-1)
    inv = inv.reshape(-1).astype(jnp.int32)

    aux = jnp.concatenate(
        [
            pos.astype(jnp.float32),
            jnp.ones((n, 1), jnp.float32),
            batch.astype(jnp.float32)[:, None],
            jnp.zeros((n, 3), jnp.float32),
        ],
        axis=1,
    )

    x_pool, aux_out = _segment_pool(inv, x, aux)
    pos_pool = aux_out[:, 0:3].astype(pos.dtype)
    batch_pool = aux_out[:, 4].astype(jnp.int32)

    edge_pool = inv[ei]

    return x_pool, pos_pool, edge_pool, batch_pool

# --- scband reference (transcript-rebuilt; emitter-appended) ---
"""Pipeline reference for scband-graph-pooling-28587302322978 (READ-ONLY COPY).

The authoritative reference and input builder live on the scoring server;
editing this copy changes nothing except your own understanding.
"""

import jax, jax.numpy as jnp
import numpy as np

VOXEL_SIZE = jnp.array([0.05, 0.05], dtype=jnp.float32)

N_NODES = 10000
N_EDGES = 320000
D_FEAT = 128
N_GRAPHS = 8


def setup_inputs(seed: int = 0) -> dict:
    key = jax.random.key(seed)
    k1, k2, k3, k4 = jax.random.split(key, 4)
    x = jax.random.normal(k1, (N_NODES, D_FEAT), dtype=jnp.float32)
    pos = jax.random.uniform(k2, (N_NODES, 3), dtype=jnp.float32)
    batch = jnp.sort(jax.random.randint(k3, (N_NODES,), 0, N_GRAPHS)).astype(jnp.int64)
    edge_index = jax.random.randint(k4, (2, N_EDGES), 0, N_NODES).astype(jnp.int64)
    return {"x": x, "pos": pos, "batch": batch, "edge_index": edge_index}


def _voxel_cluster(pos2, batch, size):
    # torch_geometric.nn.voxel_grid on the first two position dims, fused with batch id
    start = jnp.min(pos2, axis=0)
    end = jnp.max(pos2, axis=0)
    v = jnp.floor((pos2 - start) / size).astype(jnp.int64)
    num = (jnp.floor((end - start) / size) + 1.0).astype(jnp.int64)
    c = v[:, 0] + v[:, 1] * num[0]
    nvox = num[0] * num[1]
    return batch.astype(jnp.int64) * nvox + c


def reference(x, pos, batch, edge_index):
    N = x.shape[0]
    cluster = _voxel_cluster(pos[:, :2], batch, VOXEL_SIZE)
    # consecutive relabeling of clusters (PyG consecutive_cluster)
    _, inv = jnp.unique(cluster, return_inverse=True, size=N, fill_value=-1)
    inv = inv.reshape(-1)
    # max_pool: node features max-reduced per cluster
    x_pool = jax.ops.segment_max(x, inv, num_segments=N)
    x_pool = jnp.where(jnp.isneginf(x_pool), 0.0, x_pool)
    # pos mean-pooled per cluster (PyG pool_pos)
    cnt = jax.ops.segment_sum(jnp.ones((N,), dtype=pos.dtype), inv, num_segments=N)
    pos_pool = jax.ops.segment_sum(pos, inv, num_segments=N) / jnp.maximum(cnt, 1.0)[:, None]
    # batch id per pooled node
    batch_pool = jax.ops.segment_max(batch, inv, num_segments=N)
    # edge_index remapped to cluster ids (pool_edge, without dedup for jit-friendliness)
    edge_pool = inv[edge_index]
    return x_pool, pos_pool, edge_pool, batch_pool


if False:  # reference __main__ guard neutralized (emitter)
    out = reference(**setup_inputs())
    for o in out:
        print(o.shape, o.dtype)

if __name__ == "__main__":
    import jax
    _d = setup_inputs()
    print(jax.jit(kernel)(*tuple(_d.values())))

</pallas_src>

<mosaic_0001>
module attributes {stable_mosaic.version = 14 : i64} {
  func.func @_seg_kernel(%arg0: i32, %arg1: memref<10000xi32, #tpu.memory_space<smem>>, %arg2: memref<10000x128xf32, #tpu.memory_space<vmem>>, %arg3: memref<10000x8xf32, #tpu.memory_space<vmem>>, %arg4: memref<10000x128xf32, #tpu.memory_space<vmem>>, %arg5: memref<10000x8xf32, #tpu.memory_space<vmem>>) attributes {dimension_semantics = [#tpu.dimension_semantics<arbitrary>], iteration_bounds = array<i64: 1>, scalar_prefetch = 1 : i64, scratch_operands = 0 : i64, tpu.core_type = #tpu.core_type<tc>, window_params = [{pipeline_mode = #tpu.pipeline_mode<synchronous>, transform_indices = @transform_0, window_bounds = array<i64: 10000, 128>}, {pipeline_mode = #tpu.pipeline_mode<synchronous>, transform_indices = @transform_1, window_bounds = array<i64: 10000, 8>}, {pipeline_mode = #tpu.pipeline_mode<synchronous>, transform_indices = @transform_2, window_bounds = array<i64: 10000, 128>}, {pipeline_mode = #tpu.pipeline_mode<synchronous>, transform_indices = @transform_3, window_bounds = array<i64: 10000, 8>}]} {
    %broadcast_in_dim3A = arith.constant 0xFF800000 : f32
    %broadcast_in_dim3A_0 = vector.broadcast %broadcast_in_dim3A : f32 to vector<10000x128xf32>
    %swap3A = arith.constant 0 : index
    %swap3A_1 = arith.constant 0 : index
    %swap3A_2 = vector.load %arg4[%swap3A, %swap3A_1] : memref<10000x128xf32, #tpu.memory_space<vmem>>, vector<10000x128xf32>
    tpu.vector_store %arg4[%swap3A, %swap3A_1], %broadcast_in_dim3A_0 {strides = array<i32>} : memref<10000x128xf32, #tpu.memory_space<vmem>>, vector<10000x128xf32>,
    %broadcast_in_dim3A_3 = arith.constant 0.000000e+00 : f32
    %broadcast_in_dim3A_4 = vector.broadcast %broadcast_in_dim3A_3 : f32 to vector<10000x8xf32>
    %swap3A_5 = arith.constant 0 : index
    %swap3A_6 = arith.constant 0 : index
    %swap3A_7 = vector.load %arg5[%swap3A_5, %swap3A_6] : memref<10000x8xf32, #tpu.memory_space<vmem>>, vector<10000x8xf32>
    tpu.vector_store %arg5[%swap3A_5, %swap3A_6], %broadcast_in_dim3A_4 {strides = array<i32>} : memref<10000x8xf32, #tpu.memory_space<vmem>>, vector<10000x8xf32>,
    %scan3A = arith.constant 0 : i32
    %scan3A_8 = arith.constant 10000 : i32
    %scan3A_9 = arith.addi %scan3A, %scan3A_8 : i32
    %scan3A_10 = arith.constant 1 : i32
    scf.for %scan3A_43 = %scan3A to %scan3A_9 step %scan3A_10  : i32 {
      %get3A_44 = arith.index_cast %scan3A_43 : i32 to index
      %get3A_45 = memref.load %arg1[%get3A_44] : memref<10000xi32, #tpu.memory_space<smem>>
      %get3A_46 = arith.index_cast %scan3A_43 : i32 to index
      %get3A_47 = arith.constant 0 : index
      %get3A_48 = vector.load %arg2[%get3A_46, %get3A_47] : memref<10000x128xf32, #tpu.memory_space<vmem>>, vector<1x128xf32>
      %get3A_49 = arith.index_cast %get3A_45 : i32 to index
      %get3A_50 = arith.constant 0 : index
      %get3A_51 = vector.load %arg4[%get3A_49, %get3A_50] : memref<10000x128xf32, #tpu.memory_space<vmem>>, vector<1x128xf32>
      %max3A_52 = arith.maximumf %get3A_51, %get3A_48 : vector<1x128xf32>
      %swap3A_53 = arith.index_cast %get3A_45 : i32 to index
      %swap3A_54 = arith.constant 0 : index
      %swap3A_55 = vector.load %arg4[%swap3A_53, %swap3A_54] : memref<10000x128xf32, #tpu.memory_space<vmem>>, vector<1x128xf32>
      tpu.vector_store %arg4[%swap3A_53, %swap3A_54], %max3A_52 {strides = array<i32>} : memref<10000x128xf32, #tpu.memory_space<vmem>>, vector<1x128xf32>,
      %get3A_56 = arith.index_cast %scan3A_43 : i32 to index
      %get3A_57 = arith.constant 0 : index
      %get3A_58 = vector.load %arg3[%get3A_56, %get3A_57] : memref<10000x8xf32, #tpu.memory_space<vmem>>, vector<1x8xf32>
      %get3A_59 = arith.index_cast %get3A_45 : i32 to index
      %get3A_60 = arith.constant 0 : index
      %get3A_61 = vector.load %arg5[%get3A_59, %get3A_60] : memref<10000x8xf32, #tpu.memory_space<vmem>>, vector<1x8xf32>
      %add3A = arith.addf %get3A_61, %get3A_58 : vector<1x8xf32>
      %swap3A_62 = arith.index_cast %get3A_45 : i32 to index
      %swap3A_63 = arith.constant 0 : index
      %swap3A_64 = vector.load %arg5[%swap3A_62, %swap3A_63] : memref<10000x8xf32, #tpu.memory_space<vmem>>, vector<1x8xf32>
      tpu.vector_store %arg5[%swap3A_62, %swap3A_63], %add3A {strides = array<i32>} : memref<10000x8xf32, #tpu.memory_space<vmem>>, vector<1x8xf32>,
    }
    %scan3A_11 = arith.constant 10000 : i32
    %get3A = arith.constant 0 : index
    %get3A_12 = arith.constant 0 : index
    %get3A_13 = vector.load %arg4[%get3A, %get3A_12] : memref<10000x128xf32, #tpu.memory_space<vmem>>, vector<10000x128xf32>
    %eq3A = arith.constant 0xFF800000 : f32
    %eq3A_14 = vector.broadcast %eq3A : f32 to vector<10000x128xf32>
    %eq3A_15 = arith.cmpf oeq, %get3A_13, %eq3A_14 : vector<10000x128xf32>
    %jit3A = arith.constant 0.000000e+00 : f32
    %broadcast_in_dim3A_16 = vector.broadcast %jit3A : f32 to vector<10000x128xf32>
    %select_n3A = arith.select %eq3A_15, %broadcast_in_dim3A_16, %get3A_13 : vector<10000x128xi1>, vector<10000x128xf32>
    %swap3A_17 = arith.constant 0 : index
    %swap3A_18 = arith.constant 0 : index
    %swap3A_19 = vector.load %arg4[%swap3A_17, %swap3A_18] : memref<10000x128xf32, #tpu.memory_space<vmem>>, vector<10000x128xf32>
    tpu.vector_store %arg4[%swap3A_17, %swap3A_18], %select_n3A {strides = array<i32>} : memref<10000x128xf32, #tpu.memory_space<vmem>>, vector<10000x128xf32>,
    %get3A_20 = arith.constant 0 : index
    %get3A_21 = arith.constant 0 : index
    %get3A_22 = vector.load %arg5[%get3A_20, %get3A_21] : memref<10000x8xf32, #tpu.memory_space<vmem>>, vector<10000x8xf32>
    %slice3A = vector.extract_strided_slice %get3A_22 {offsets = [0, 3], sizes = [10000, 1], strides = [1, 1]} : vector<10000x8xf32> to vector<10000x1xf32>
    %max3A = arith.constant 1.000000e+00 : f32
    %max3A_23 = vector.broadcast %max3A : f32 to vector<10000x1xf32>
    %max3A_24 = arith.maximumf %slice3A, %max3A_23 : vector<10000x1xf32>
    %div3A = vector.broadcast %max3A_24 : vector<10000x1xf32> to vector<10000x8xf32>
    %div3A_25 = arith.divf %get3A_22, %div3A : vector<10000x8xf32>
    %iota3A = tpu.iota {dimensions = array<i32: 1>} : vector<10000x8xi32>
    %lt3A = arith.constant 3 : i32
    %lt3A_26 = vector.broadcast %lt3A : i32 to vector<10000x8xi32>
    %lt3A_27 = arith.cmpi slt, %iota3A, %lt3A_26 : vector<10000x8xi32>
    %select_n3A_28 = arith.select %lt3A_27, %div3A_25, %get3A_22 : vector<10000x8xi1>, vector<10000x8xf32>
    %gt3A = arith.constant 0.000000e+00 : f32
    %gt3A_29 = vector.broadcast %gt3A : f32 to vector<10000x1xf32>
    %gt3A_30 = arith.cmpf ogt, %slice3A, %gt3A_29 : vector<10000x1xf32>
    %jit3A_31 = arith.constant -2.14748365E+9 : f32
    %broadcast_in_dim3A_32 = vector.shape_cast %gt3A_30 : vector<10000x1xi1> to vector<10000x1xi1>
    %broadcast_in_dim3A_33 = vector.broadcast %broadcast_in_dim3A_32 : vector<10000x1xi1> to vector<10000x8xi1>
    %broadcast_in_dim3A_34 = vector.broadcast %jit3A_31 : f32 to vector<10000x8xf32>
    %select_n3A_35 = arith.select %broadcast_in_dim3A_33, %div3A_25, %broadcast_in_dim3A_34 : vector<10000x8xi1>, vector<10000x8xf32>
    %eq3A_36 = arith.constant 4 : i32
    %eq3A_37 = vector.broadcast %eq3A_36 : i32 to vector<10000x8xi32>
    %eq3A_38 = arith.cmpi eq, %iota3A, %eq3A_37 : vector<10000x8xi32>
    %select_n3A_39 = arith.select %eq3A_38, %select_n3A_35, %select_n3A_28 : vector<10000x8xi1>, vector<10000x8xf32>
    %swap3A_40 = arith.constant 0 : index
    %swap3A_41 = arith.constant 0 : index
    %swap3A_42 = vector.load %arg5[%swap3A_40, %swap3A_41] : memref<10000x8xf32, #tpu.memory_space<vmem>>, vector<10000x8xf32>
    tpu.vector_store %arg5[%swap3A_40, %swap3A_41], %select_n3A_39 {strides = array<i32>} : memref<10000x8xf32, #tpu.memory_space<vmem>>, vector<10000x8xf32>,
    return
  }
  func.func @transform_0(%arg0: i32, %arg1: memref<10000xi32, #tpu.memory_space<smem>>) -> (i32, i32) {
    %c0_i32 = arith.constant 0 : i32
    %c0_i32_0 = arith.constant 0 : i32
    %c0_i32_1 = arith.constant 0 : i32
    return %c0_i32, %c0_i32_0 : i32, i32
  }
  func.func @transform_1(%arg0: i32, %arg1: memref<10000xi32, #tpu.memory_space<smem>>) -> (i32, i32) {
    %c0_i32 = arith.constant 0 : i32
    %c0_i32_0 = arith.constant 0 : i32
    %c0_i32_1 = arith.constant 0 : i32
    return %c0_i32, %c0_i32_0 : i32, i32
  }
  func.func @transform_2(%arg0: i32, %arg1: memref<10000xi32, #tpu.memory_space<smem>>) -> (i32, i32) {
    %c0_i32 = arith.constant 0 : i32
    %c0_i32_0 = arith.constant 0 : i32
    %c0_i32_1 = arith.constant 0 : i32
    return %c0_i32, %c0_i32_0 : i32, i32
  }
  func.func @transform_3(%arg0: i32, %arg1: memref<10000xi32, #tpu.memory_space<smem>>) -> (i32, i32) {
    %c0_i32 = arith.constant 0 : i32
    %c0_i32_0 = arith.constant 0 : i32
    %c0_i32_1 = arith.constant 0 : i32
    return %c0_i32, %c0_i32_0 : i32, i32
  }
}

</mosaic_0001>

<sc_bundles>
// kernel: gather_offload_async_start
scs
__scs_entry_jumppad:
0x0: {  	(pc) =	sbr.rel $0x88, $3  }
0x1: {  	(tag) =	ssettag $0x0;
	lr =	simm.s32 $0x1  }
0x2: {  	[smem:$0x3F9D] =	sst lr;
	_ =	strace $0xD0000000  }
0x3: {  	_ = 	snop  }
0x4: {  	_ = 	snop  }
0x5: {  	_ = 	snop  }
0x6: {  	_ = 	snop  }
0x7: {  	_ = 	snop  }
__scs_overlays_trampoline_lowered:
0x8: {  	[smem:$0x3FAC] =	sst s0  }
0x9: {  	[smem:$0x3FAD] =	sst s1  }
0xa: {  	[smem:$0x3FAE] =	sst s2  }
0xb: {  	[smem:$0x3FAF] =	sst s3  }
0xc: {  	[smem:$0x3FB0] =	sst s4  }
0xd: {  	[smem:$0x3FB1] =	sst s5  }
0xe: {  	[smem:$0x3FB2] =	sst s6  }
0xf: {  	[smem:$0x3FB3] =	sst s7  }
0x10: {  	[smem:$0x3FB4] =	sst s8  }
0x11: {  	[smem:$0x3FB5] =	sst s9;
	s0 =	simm.s32 @!p0 $0x0  }
0x12: {  	s1 =	sld [smem:$0x3F9B];
	s0 =	simm.s32 @p0 $0x1  }
0x13: {  	[smem:$0x3FB6] =	sst s0;
	s0 =	simm.s32 @!p1 $0x0  }
0x14: {  	s2 =	sld [smem:$0x3F9A];
	s0 =	simm.s32 @p1 $0x1  }
0x15: {  	[smem:$0x3FB7] =	sst s0;
	s0 =	simm.s32 @!p2 $0x0  }
0x16: {  	s3 =	sld [smem:$0x3FDB];
	s0 =	simm.s32 @p2 $0x1  }
0x17: {  	s4 =	simm.s32 $0x1BF5;
	[smem:$0x3FB9] =	sst s0  }
0x18: {  	s0 =	sld [smem:$0x3F9C];
	_ =	swait.ge [sflag:s4], $0x0  }
0x19: {  	s7 =	sld [smem:$0x3F9D]  }
0x1a: {  	s8 =	sadd.s32 $0xFFFFE003, lr  }
0x1b: {  	s9 =	sadd.s32 $0xFFFFFEF7, lr;
	s5 =	simm.s32 $0xFFFFFFFF;
	p2 =	slt.u32 s8, $0xFFFFF086  }
0x1c: {  	p1 =	slt.u32 s9, $0xF7A;
	s5 =	simm.s32 @!p2 $0x0  }
0x1d: {  	s5 =	simm.s32 @p1 $0x1;
	p0 =	seq.s32 s7, s2  }
0x1e: {  	s7 =	smul.u32 @!p0 $0xF7A, s2;
	p2 =	seq.s32 @!p0 s5, $0x0  }
0x1f: {  	s9 =	smul.u32 $0xF7A, s1;
	s8 =	simm.s32 @!p0 $0x1BF5;
	p2 =	por !p2, p0  }
0x20: {  	[sflag:s8] =	ssyncset.s32 @!p0 $0xFFFFF086;
	s6 =	sadd.s32 @!p0 s3, s7;
	s7 =	simm.s32 @!p0 $0x108  }
0x21: {  	s3 =	sadd.s32 s3, s9;
	s6 =	sadd.s32 @!p0 $0x88, s6;
	s7 =	simm.s32 @p2 $0x1082  }
0x22: {  	[simem:s7], [sflag:s8] =	dma.local @!p0 [hbm:s6], $0xF7A  }
0x23: {  	s9 =	sor.u32 $0xD0000000, s2;
	s6 =	simm.s32 $0x108;
	_ =	swait.ge @!p0 [sflag:s8], $0x0  }
0x24: {  	s3 =	sadd.s32 $0x88, s3;
	s6 =	simm.s32 @!p1 $0x1082;
	[sflag:s4] =	ssyncset.s32 $0xFFFFF086  }
0x25: {  	[simem:s6], [sflag:s4] =	dma.local [hbm:s3], $0xF7A  }
0x26: {  	[smem:$0x3F9D] =	sst s1;
	(tag) =	ssettag s2;
	_ =	strace s9  }
0x27: {  	s1 =	sld [smem:$0x3FAD]  }
0x28: {  	s2 =	sld [smem:$0x3FAE]  }
0x29: {  	s4 =	sld [smem:$0x3FB0]  }
0x2a: {  	p0 =	seq.s32 s5, $0x0;
	s5 =	sld [smem:$0x3FB1]  }
0x2b: {  	s6 =	sld [smem:$0x3FB2]  }
0x2c: {  	s7 =	sld [smem:$0x3FB3]  }
0x2d: {  	s3 =	simm.s32 $0x108;
	s8 =	sld [smem:$0x3FB4]  }
0x2e: {  	s3 =	simm.s32 @!p0 $0x1082;
	s9 =	sld [smem:$0x3FB5]  }
0x2f: {  	lr =	sadd.s32 s0, s3;
	s0 =	sld [smem:$0x3FAC]  }
0x30: {  	s3 =	sld [smem:$0x3FAF]  }
0x31: {  	[smem:$0x3FB8] =	sst s10  }
0x32: {  	s10 =	sld [smem:$0x3FB6];
	_ =	sdelay $0x3  }
0x33: {  	p0 =	seq.s32 s10, $0x1;
	s10 =	sld [smem:$0x3FB8];
	_ =	sdelay $0x3  }
0x34: {  	[smem:$0x3FB8] =	sst s10  }
0x35: {  	s10 =	sld [smem:$0x3FB7];
	_ =	sdelay $0x3  }
0x36: {  	p1 =	seq.s32 s10, $0x1;
	s10 =	sld [smem:$0x3FB8];
	_ =	sdelay $0x3  }
0x37: {  	[smem:$0x3FB8] =	sst s10  }
0x38: {  	s10 =	sld [smem:$0x3FB9]  }
0x39: {  	_ = 	snop;
	(pc) =	sbr.ind lr, $3  }
0x3a: {  	_ = 	snop  }
0x3b: {  	_ = 	snop  }
0x3c: {  	p2 =	seq.s32 s10, $0x1;
	s10 =	sld [smem:$0x3FB8]  }
0x3d: {  	_ =	shalt  }
0x3e: {  	_ =	shalt  }
0x3f: {  	_ =	shalt  }
0x40: {  	_ =	shalt  }
0x41: {  	_ =	shalt  }
0x42: {  	_ =	shalt  }
0x43: {  	_ =	shalt  }
0x44: {  	_ =	shalt  }
0x45: {  	_ =	shalt  }
0x46: {  	_ =	shalt  }
0x47: {  	_ =	shalt  }
0x48: {  	_ =	shalt  }
0x49: {  	_ =	shalt  }
0x4a: {  	_ =	shalt  }
0x4b: {  	_ =	shalt  }
0x4c: {  	_ =	shalt  }
0x4d: {  	_ =	shalt  }
0x4e: {  	_ =	shalt  }
0x4f: {  	_ =	shalt  }
0x50: {  	_ =	shalt  }
0x51: {  	_ =	shalt  }
0x52: {  	_ =	shalt  }
0x53: {  	_ =	shalt  }
0x54: {  	_ =	shalt  }
0x55: {  	_ =	shalt  }
0x56: {  	_ =	shalt  }
0x57: {  	_ =	shalt  }
0x58: {  	_ =	shalt  }
0x59: {  	_ =	shalt  }
0x5a: {  	_ =	shalt  }
0x5b: {  	_ =	shalt  }
0x5c: {  	_ =	shalt  }
0x5d: {  	_ =	shalt  }
0x5e: {  	_ =	shalt  }
0x5f: {  	_ =	shalt  }
0x60: {  	_ =	shalt  }
0x61: {  	_ =	shalt  }
0x62: {  	_ =	shalt  }
0x63: {  	_ =	shalt  }
0x64: {  	_ =	shalt  }
0x65: {  	_ =	shalt  }
0x66: {  	_ =	shalt  }
0x67: {  	_ =	shalt  }
0x68: {  	_ =	shalt  }
0x69: {  	_ =	shalt  }
0x6a: {  	_ =	shalt  }
0x6b: {  	_ =	shalt  }
0x6c: {  	_ =	shalt  }
0x6d: {  	_ =	shalt  }
0x6e: {  	_ =	shalt  }
0x6f: {  	_ =	shalt  }
0x70: {  	_ =	shalt  }
0x71: {  	_ =	shalt  }
0x72: {  	_ =	shalt  }
0x73: {  	_ =	shalt  }
0x74: {  	_ =	shalt  }
0x75: {  	_ =	shalt  }
0x76: {  	_ =	shalt  }
0x77: {  	_ =	shalt  }
0x78: {  	_ =	shalt  }
0x79: {  	_ =	shalt  }
0x7a: {  	_ =	shalt  }
0x7b: {  	_ =	shalt  }
0x7c: {  	_ =	shalt  }
0x7d: {  	_ =	shalt  }
0x7e: {  	_ =	shalt  }
0x7f: {  	_ =	shalt  }
0x80: {  	_ =	shalt  }
0x81: {  	_ =	shalt  }
0x82: {  	_ =	shalt  }
0x83: {  	_ =	shalt  }
0x84: {  	_ =	shalt  }
0x85: {  	_ =	shalt  }
0x86: {  	_ =	shalt  }
0x87: {  	_ =	shalt  }
.Lfunc_end0:
.L_simem_size_0:
called_computation_lowered:
.L_overlay_start_0:
0x88: {  	s0 =	sld [smem:$0x3FD9]  }
0x89: {  	s1 =	sld [smem:$0x3FFE];
	_ =	sdelay $0x3  }
0x8a: {  	s0 =	sadd.s32 s1, s0  }
0x8b: {  	[smem:$0x3FC4] =	sst s0  }
0x8c: {  	_ = 	snop  }
0x8d: {  	s0 =	sld [smem:$0x3FD0];
	_ =	sdelay $0x2  }
0x8e: {  	s14 =	simm.s32 $0xA;
	s2 =	simm.s32 $0x10  }
0x8f: {  	[smem:s2], [sflag:s14] =	dma.local [hbm:s0], $0x1  }
0x90: {  	_ =	swait.eq [sflag:s14], $0x1  }
0x91: {  	s15 =	sld [smem:$0x11];
	[sflag:s14] =	ssyncset.done $0x0  }
0x92: {  	s16 =	sld [smem:$0x12];
	[sflag:s14] =	ssyncadd.s32 $0xFFFFFFFF  }
0x93: {  	s17 =	sld [smem:$0x13];
	(tm) =	ssettm $0x1  }
0x94: {  	s3 =	sld [smem:$0x3FFB];
	_ =	sdelay $0x3  }
0x95: {  	_ =	strace s3  }
0x96: {  	s3 =	sld [smem:$0x3FFC];
	_ =	sdelay $0x3  }
0x97: {  	_ =	strace s3  }
0x98: {  	s3 =	sld [smem:$0x3FFD];
	_ =	sdelay $0x3  }
0x99: {  	_ =	strace s3  }
0x9a: {  	_ =	strace $0x8FFFFFFF  }
0x9b: {  	s18 =	sld [smem:$0x3FDB];
	_ =	sdelay $0x1  }
0x9c: {  	s4 =	simm.s32 $_scs_section_size  }
0x9d: {  	s5 =	simm.s32 $_size__tile_overlayer_lowered;
	s6 =	simm.s32 $_tile_overlayer_lowered  }
0x9e: {  	s21 =	simm.s32 $0x1BFF;
	s20 =	sshll.u32 s6, $0x1;
	s3 =	sadd.s32 s4, s18  }
0x9f: {  	s7 =	simm.s32 $0x0;
	s19 =	sshll.u32 s5, $0x1;
	s5 =	sadd.s32 s20, s3  }
0xa0: {  	[timem:s7], [sflag:s21] =	dma.local [hbm:s5], s19  }
0xa1: {  	_ =	swait.ge [sflag:s21], s19  }
0xa2: {  	s4 =	ssub.s32 $0x0, s19;
	[sflag:s21] =	ssyncset.done $0x0  }
0xa3: {  	[sflag:s21] =	ssyncadd.s32 s4;
	_ =	sdelay $0x1  }
0xa4: {  	s22 =	simm.s32 $0x1B8B  }
0xa5: {  	_ =	swait.ge [sflag:s22], $0x1  }
0xa6: {  	[sflag:s22] =	ssyncset.done $0x0  }
0xa7: {  	s23 =	simm.s32 $0x1B8E;
	[sflag:s22] =	ssyncadd.s32 $0xFFFFFFFF  }
0xa8: {  	s24 =	simm.s32 $execute0_lowered;
	[smem:$0x3FD2] =	sst s23  }
0xa9: {  	s4 =	sshll.u32 s24, $0x1;
	_ =	strace $0x80000046;
	[dreg:$0x1] =	wrdreg $0xFFFFFFFF  }
0xaa: {  	s25 =	simm.s32 $_size_execute0_lowered;
	s3 =	sadd.s32 s3, s4;
	[dreg:$0x0] =	wrdreg $0x0  }
0xab: {  	s4 =	sshll.u32 s25, $0x1;
	[dreg:$0x2] =	wrdreg s3  }
0xac: {  	[dreg:$0x3] =	wrdreg s4  }
0xad: {  	[dreg:$0x4] =	wrdreg $0xC0  }
0xae: {  	_ =	task [dreg:s7], $0x5FFFF  }
0xaf: {  	[dreg:$0x1] =	wrdreg $0xFFFFFFFF  }
0xb0: {  	[dreg:$0x0] =	wrdreg $0x60  }
0xb1: {  	[dreg:$0x2] =	wrdreg s15  }
0xb2: {  	[dreg:$0x3] =	wrdreg s17  }
0xb3: {  	[dreg:$0x4] =	wrdreg s16  }
0xb4: {  	[dreg:$0x5] =	wrdreg $0x9  }
0xb5: {  	_ =	task.clear_ibuf [dreg:s7], $0x6FFFF;
	_ =	strace $0x90000046  }
0xb6: {  	s26 =	simm.s32 $0x9;
	_ =	strace $0x80000048  }
0xb7: {  	_ =	swait.ge [sflag:s26], $0x1  }
0xb8: {  	[sflag:s26] =	ssyncadd.s32 $0xFFFFFFFF  }
0xb9: {  	_ =	strace $0x90000048  }
0xba: {  	_ =	sfence  }
0xbb: {  	s28 =	sld [smem:$0x0];
	_ =	sdelay $0x1  }
0xbc: {  	s29 =	srdreg.scid  }
0xbd: {  	s30 =	sshll.u32 s29, $0xD;
	s31 =	sshrl.u32 s29, $0x2  }
0xbe: {  	s1 =	sand.u32 $0x1, s29;
	s2 =	sand.u32 $0x4000, s30;
	s0 =	sadd.s32 s31, s28  }
0xbf: {  	s1 =	sor.u32 s2, s1;
	s0 =	sshll.u32 s0, $0x11  }
0xc0: {  	s0 =	sor.u32 s0, s1  }
0xc1: {  	s0 =	sadd.s32 $0x8F2B, s0  }
0xc2: {  	[sflag:s0] =	ssyncadd.remote.s32 $0x1  }
0xc3: {  	_ =	sfence.sel $0xFFFF  }
0xc4: {  	[dreg:$0x0] =	wrdreg $0xFFFFFFFF;
	(pc) =	sbr.abs _section_cstart, $3  }
0xc5: {  	[dreg:$0x1] =	wrdreg $0xFFFFFFFF  }
0xc6: {  	_ =	task.clear_ibuf [dreg:s7], $0x2FFFF;
	_ =	strace $0x9FFFFFFF  }
0xc7: {  	(tm) =	ssettm $0x7FFFFFFF  }
tec
execute0_lowered:
.L_overlay_start_1:
0x0: {  	(tag) =	ssettag $0x1  }
0x1: {  	s2 =	rddreg [dreg:$0x0]  }
0x2: {  	s3 =	rddreg [dreg:$0x1]  }
0x3: {  	s4 =	rddreg [dreg:$0x2]  }
0x4: {  	s0 =	rddreg [dreg:$0x3];
	_ =	strace $0x80000047  }
0x5: {  	s5 =	simm.s32 $0x1;
	s1 =	stileid.u32;
	s8 =	simm.s32 $0x1  }
0x6: {  	s9 =	simm.s32 $0x1;
	s7 =	simm.s32 $0x2;
	s10 =	simm.s32 $0x3  }
.Ltmp0:
0x7: {  	s13 =	simm.s32 $0x0;
	p0 =	slt.u32 s1, $0xA;
	(pc) =	sbr.rel .LBB2_1-.Ltmp0, $4  }
0x8: {  	[sflag:s5] =	ssyncpa.u1 $0x0;
	s8 =	simm.s32 @!p0 $0x0;
	p0 =	sne.s32 s1, $0x9  }
0x9: {  	s6 =	smul.u32 $0x190, s1;
	[sflag:s7] =	ssyncpa.u1 $0x0;
	s9 =	simm.s32 @!p0 $0x0  }
0xa: {  	s12 =	simm.s32 $0x0;
	[sflag:s10] =	ssyncpa.u1 $0x0;
	s8 =	sadd.s32 s9, s8  }
0xb: {  	vm0 =	vmmov $0xffff;
	s10 =	simm.s32 $0x0;
	s11 =	smov.u32 s6;
	s9 =	sadd.s32 $0x1, s8  }
.LBB2_4:
0xc: {  	v2 =	vnsel vm1, $0x0, v2  }
0xd: {  	vm1 =	vgt.s32 v0, $0x0;
	v2 =	vmin.u32 v2, $0x270F  }
0xe: {  	v0 =	vnsel vm1, $0x0, v0  }
0xf: {  	v0 =	vmin.u32 v0, $0x270F  }
0x10: {  	[tilespmem:s18], [sflag:$0x1] =	stream.indirect_vreg.gather [hbm4b:s2+s10], $0x1, v1, vm0, $0x4038;
	[tilespmem:$0x640] =	vst v63  }
0x11: {  	(ifvalue) =	ssetifvalue $0x7FFFFFFF  }
0x12: {  	[tilespmem:s15], [sflag:$0x1] =	stream.indirect_vreg.gather [hbm4b:s2+s10], $0x1, v2, vm0, $0x4038;
	[tilespmem:$0x640] =	vst v63  }
0x13: {  	s29 =	sadd.s32 $0x10, s15;
	(ifvalue) =	ssetifvalue $0x7FFFFFFF  }
0x14: {  	[tilespmem:s29], [sflag:$0x1] =	stream.indirect_vreg.gather [hbm4b:s2+s10], $0x1, v0, vm0, $0x4038;
	[tilespmem:$0x640] =	vst v63  }
0x15: {  	_ =	swait.ge [sflag:s5], $0x190  }
0x16: {  	s30 =	sshrl.u32 s13, $0x3;
	[sflag:s5] =	ssyncset.done $0x0  }
0x17: {  	s31 =	sand.u32 $0x7, s13;
	s15 =	sadd.s32 s4, s30;
	[sflag:s5] =	ssyncadd.s32 $0xFFFFFE70  }
0x18: {  	[hbm4b:s15+s31] =	stream.linear.scatter [tilespmem:s14], [sflag:$0x3], $0x190, $0x38;
	[tilespmem:$0x640] =	vst v63  }
.LBB2_5:
0x19: {  	s15 =	sadd.s32 $0x1900, s11  }
0x1a: {  	p1 =	sgt.s32 s15, $0x270F  }
0x1b: {  	s15 =	smov.u32 @p1 s6;
	p1 =	sne.s32 s12, s9  }
.Ltmp1:
0x1c: {  	p0 =	slt.u32 s12, $0x2;
	(pc) =	sbr.rel @!p1 .LBB2_6-.Ltmp1, $4  }
0x1d: {  	s14 =	simm.s32 @!p0 $0x3  }
0x1e: {  	_ =	swait.ge @!p0 [sflag:s14], $0x190  }
0x1f: {  	s16 =	sadd.s32 $0x1, s12;
	s13 =	smov.u32 s11;
	[sflag:s14] =	ssyncset.done @!p0 $0x0  }
0x20: {  	s12 =	smov.u32 s16;
	s11 =	smov.u32 s15;
	[sflag:s14] =	ssyncadd.s32 @!p0 $0xFFFFFE70  }
.LBB2_1:
0x21: {  	p0 =	sge.u32 s12, s8  }
0x22: {  	s14 =	sxor.u32 @!p0 $0x1, s12  }
0x23: {  	s14 =	smul.u32 @!p0 $0x640, s14  }
0x24: {  	s31 =	sadd.s32 $0xFFFFFFFF, s12;
	s15 =	sshrl.u32 @!p0 s11, $0x3  }
0x25: {  	s16 =	sand.u32 @!p0 $0x7, s11;
	s15 =	sadd.s32 @!p0 s3, s15;
	s14 =	sshra.s32 @!p0 s14, $0x2  }
0x26: {  	[tilespmem:s14], [sflag:$0x2] =	stream.linear.gather @!p0 [hbm4b:s15+s16], $0x190, $0x38;
	[tilespmem:$0x640] =	vst v63  }
0x27: {  	p0 =	sge.u32 s31, s8  }
.Ltmp2:
0x28: {  	_ = 	snop;
	(pc) =	sbr.rel @p0 .LBB2_5-.Ltmp2, $1  }
0x29: {  	_ =	sdelay $0x3  }
0x2a: {  	s14 =	sand.u32 $0x1, s12  }
0x2b: {  	_ =	swait.ge [sflag:s7], $0x190;
	p0 =	seq.s32 s14, $0x1;
	s14 =	simm.s32 $0x190  }
0x2c: {  	[sflag:s7] =	ssyncset.done $0x0;
	s14 =	simm.s32 @!p0 $0x0  }
0x2d: {  	[sflag:s7] =	ssyncadd.s32 $0xFFFFFE70;
	(ifvalue) =	ssetifvalue $0x7FFFFFFF;
	v0 =	vld.msk [tilespmem:s14+$0x0 ss:$0x1], $0xffff;
	_ =	sdelay $0x4  }
0x2e: {  	s15 =	sadd.s32 $0x10, s14;
	vm1 =	vgt.s32 v0, $0x0  }
0x2f: {  	v2 =	vld.msk [tilespmem:s15+$0x0 ss:$0x1], $0xffff;
	v1 =	vnsel vm1, $0x0, v0  }
0x30: {  	v1 =	vmin.u32 v1, $0x270F;
	_ =	sdelay $0x2  }
0x31: {  	s17 =	simm.s32 $0x20;
	s14 =	sadd.s32 $0x320, s14;
	s16 =	sadd.s32 $0x10, s15  }
0x32: {  	s15 =	sadd.s32 $0x10, s14;
	s18 =	smov.u32 s14;
	v0 =	vld.msk [tilespmem:s16+$0x0 ss:$0x1], $0xffff;
	vm1 =	vgt.s32 v2, $0x0;
	(ifvalue) =	ssetifvalue $0x7FFFFFFF  }
.LBB2_3:
0x33: {  	[tilespmem:s18], [sflag:$0x1] =	stream.indirect_vreg.gather [hbm4b:s2+s10], $0x1, v1, vm0, $0x4038;
	[tilespmem:$0x640] =	vst v63  }
0x34: {  	s17 =	sadd.s32 $0x10, s17  }
0x35: {  	v2 =	vnsel vm1, $0x0, v2;
	p0 =	slt.u32 s17, $0x180  }
.Ltmp3:
0x36: {  	s18 =	smov.u32 s15;
	v1 =	vmin.u32 v2, $0x270F;
	(pc) =	sbr.rel @p0 .LBB2_3-.Ltmp3, $3  }
0x37: {  	_ =	sdelay $0x1  }
0x38: {  	s16 =	sadd.s32 $0x10, s16  }
0x39: {  	vm1 =	vgt.s32 v0, $0x0;
	s15 =	sadd.s32 $0x10, s15;
	v2 =	vmov v0;
	(ifvalue) =	ssetifvalue $0x7FFFFFFF;
	v0 =	vld.msk [tilespmem:s16+$0x0 ss:$0x1], $0xffff  }
.Ltmp4:
0x3a: {  	_ = 	snop;
	(pc) =	sbr.rel .LBB2_4-.Ltmp4, $1  }
0x3b: {  	_ =	sdelay $0x3  }
.LBB2_6:
0x3c: {  	_ =	sfence.sel $0x180000  }
0x3d: {  	s2 =	simm.s32 $0x2;
	[bflag:$0x0] =	sbarrier.arrive $0xFFFF  }
0x3e: {  	s30 =	simm.s32 $0x3;
	[sflag:s2] =	ssyncpa.u1 $0x1  }
0x3f: {  	s31 =	simm.s32 $0x1;
	[sflag:s30] =	ssyncpa.u1 $0x1  }
0x40: {  	[sflag:s31] =	ssyncpa.u1 $0x1  }
0x41: {  	p0 =	sne.s32 s1, $0x0;
	_ =	strace $0x90000047  }
0x42: {  	s0 =	sadd.s32 @!p0 $0x100000, s0;
	[bflag:$0x2] =	sbarrier.arrive $0xFFFF  }
0x43: {  	[sflag:s0] =	ssyncadd.tile.s32 @!p0 $0x1;
	_ =	shalt  }
.Lfunc_end2:
_tile_overlayer_lowered:
.L_overlay_start_2:
0x44: {  	(tag) =	ssettag $0x2  }
0x45: {  	s0 =	rddreg [dreg:$0x0];
	s2 =	stileid.u32  }
0x46: {  	s1 =	rddreg [dreg:$0x1];
	p0 =	sne.s32 s2, $0x0  }
0x47: {  	s3 =	rddreg [dreg:$0x2];
	[bflag:$0x3] =	sbarrier.arrive $0xFFFF;
	s2 =	simm.s32 @!p0 $0x1C01  }
0x48: {  	[timem:s3], [sflag:s2] =	dma.local @!p0 [hbm:s0], s1  }
0x49: {  	s0 =	simm.s32 @!p0 $0x1  }
0x4a: {  	_ =	swait.ge @!p0 [sflag:s0], s1  }
0x4b: {  	s1 =	ssub.s32 @!p0 $0x0, s1;
	[sflag:s0] =	ssyncset.done @!p0 $0x0  }
0x4c: {  	[sflag:s0] =	ssyncadd.s32 @!p0 s1  }
0x4d: {  	[bflag:$0x3] =	sbarrier.arrive $0xFFFF  }
0x4e: {  	_ =	shalt  }

</sc_bundles>
